<compile_context>
chip_gen: v7x
topology: tpu7x:2x2x1
jax: 0.10.2.dev20260603
libtpu: 0.0.44.dev20260713+nightly
codegen_flags: <defaults>
</compile_context>

<pallas_src>
import functools

import jax
import jax.numpy as jnp
from jax import lax
from jax.experimental import pallas as pl
from jax.experimental.pallas import tpu as pltpu
from jax.experimental.pallas import tpu_sc as plsc

T = 64
H = 1024
F = 512
E = 64
ZE = 16
K = 2
SCALE = 2.5
NC = E + ZE


def _logits_kernel(x_ref, wr_ref, bias_ref, s_ref, sc_ref):
    logitsT = lax.dot_general(wr_ref[...], x_ref[...], (((1,), (1,)), ((), ())),
                              preferred_element_type=jnp.float32)
    sT = jax.nn.softmax(logitsT, axis=0)
    s_ref[...] = sT
    sc_ref[...] = sT + bias_ref[...]


def _sc_router(s_hbm, sc_hbm, i1_hbm, i2_hbm, w1_hbm, w2_hbm, zsc_hbm,
               s_v, sc_v, i1_v, i2_v, w1_v, w2_v, zsc_v):
    wid = lax.axis_index("s") * 2 + lax.axis_index("c")

    @pl.when(wid < 4)
    def _():
        off = pl.multiple_of(wid * 16, 16)
        pltpu.sync_copy(s_hbm, s_v)
        pltpu.sync_copy(sc_hbm, sc_v)

        def body(c, carry):
            m1, i1, w1, m2, i2, w2 = carry
            vc = sc_v[c, pl.ds(off, 16)]
            vs = s_v[c, pl.ds(off, 16)]
            cvec = jnp.full((16,), 0, jnp.int32) + c
            gt1 = vc > m1
            gt2 = vc > m2
            m2n = jnp.where(gt1, m1, jnp.where(gt2, vc, m2))
            i2n = jnp.where(gt1, i1, jnp.where(gt2, cvec, i2))
            w2n = jnp.where(gt1, w1, jnp.where(gt2, vs, w2))
            m1n = jnp.where(gt1, vc, m1)
            i1n = jnp.where(gt1, cvec, i1)
            w1n = jnp.where(gt1, vs, w1)
            return m1n, i1n, w1n, m2n, i2n, w2n

        neg = jnp.full((16,), -jnp.inf, jnp.float32)
        zi = jnp.zeros((16,), jnp.int32)
        zf = jnp.zeros((16,), jnp.float32)
        m1, i1, w1, m2, i2, w2 = lax.fori_loop(
            0, NC, body, (neg, zi, zf, neg, zi, zf))

        w1s = w1 * SCALE
        w2s = w2 * SCALE
        z1 = i1 >= E
        z2 = i2 >= E
        zsc = jnp.where(z1, w1s, 0.0) + jnp.where(z2, w2s, 0.0)
        w1f = jnp.where(z1, 0.0, w1s)
        w2f = jnp.where(z2, 0.0, w2s)

        i1_v[...] = i1
        i2_v[...] = i2
        w1_v[...] = w1f
        w2_v[...] = w2f
        zsc_v[...] = zsc

        sl = pl.ds(off, 16)
        pltpu.sync_copy(i1_v, i1_hbm.at[sl])
        pltpu.sync_copy(i2_v, i2_hbm.at[sl])
        pltpu.sync_copy(w1_v, w1_hbm.at[sl])
        pltpu.sync_copy(w2_v, w2_hbm.at[sl])
        pltpu.sync_copy(zsc_v, zsc_hbm.at[sl])


def _sched_kernel(i1_ref, i2_ref, sched_ref):
    i1 = i1_ref[...]
    i2 = i2_ref[...]
    eio = lax.broadcasted_iota(jnp.int32, (T, E), 1)
    hitf = ((i1 == eio) | (i2 == eio)).astype(jnp.float32)
    ones_col = jnp.ones((T, 1), jnp.float32)
    nhit = lax.dot_general(hitf, ones_col, (((0,), (0,)), ((), ())),
                           preferred_element_type=jnp.float32)
    activef = (nhit > 0.0).astype(jnp.float32)
    io0 = lax.broadcasted_iota(jnp.int32, (E, E), 0)
    io1 = lax.broadcasted_iota(jnp.int32, (E, E), 1)
    ltri = (io0 >= io1).astype(jnp.float32)
    rank = lax.dot_general(ltri, activef, (((1,), (0,)), ((), ())),
                           preferred_element_type=jnp.float32)
    jrow = lax.broadcasted_iota(jnp.int32, (1, E), 1)
    onehot = ((rank.astype(jnp.int32) == jrow + 1) &
              (activef > 0.0)).astype(jnp.float32)
    erow = lax.broadcasted_iota(jnp.int32, (1, E), 1).astype(jnp.float32)
    sched_row = lax.dot_general(erow, onehot, (((1,), (0,)), ((), ())),
                                preferred_element_type=jnp.float32)
    count = jnp.sum(activef, axis=0, keepdims=True).astype(jnp.int32)
    ecol = lax.broadcasted_iota(jnp.int32, (E, 1), 0)
    last = jnp.max(jnp.where(activef > 0.0, ecol, -1), axis=0, keepdims=True)
    sched = jnp.where(jrow < count, sched_row.astype(jnp.int32),
                      jnp.maximum(last, 0))
    sched_ref[...] = jnp.zeros((8, 128), jnp.int32)
    sched_ref[0:1, 0:E] = sched
    sched_ref[0:1, E:E + 1] = count


def _expert_kernel(sched_ref, count_ref, x_ref, i1_ref, i2_ref, w1_ref,
                   w2c_ref, zsc_ref, w13_ref, w2_ref, out_ref):
    i = pl.program_id(0)
    e = sched_ref[i]

    @pl.when(i == 0)
    def _init():
        out_ref[...] = x_ref[...] * zsc_ref[...]

    @pl.when(i < count_ref[0])
    def _expert():
        x = x_ref[...]
        h13 = lax.dot_general(x, w13_ref[0], (((1,), (1,)), ((), ())),
                              preferred_element_type=jnp.float32)
        gate = h13[:, :F]
        up = h13[:, F:]
        act = gate * jax.nn.sigmoid(gate) * up
        oute = lax.dot_general(act, w2_ref[0], (((1,), (1,)), ((), ())),
                               preferred_element_type=jnp.float32)
        wcol = (jnp.where(i1_ref[...] == e, w1_ref[...], 0.0)
                + jnp.where(i2_ref[...] == e, w2c_ref[...], 0.0))
        out_ref[...] += wcol * oute


def kernel(hidden_states, router_weight, e_score_correction_bias, w13_weight, w2_weight):
    biasT = e_score_correction_bias.reshape(NC, 1)
    sT, scT = pl.pallas_call(
        _logits_kernel,
        in_specs=[
            pl.BlockSpec((T, H), lambda: (0, 0)),
            pl.BlockSpec((NC, H), lambda: (0, 0)),
            pl.BlockSpec((NC, 1), lambda: (0, 0)),
        ],
        out_specs=[
            pl.BlockSpec((NC, T), lambda: (0, 0)),
            pl.BlockSpec((NC, T), lambda: (0, 0)),
        ],
        out_shape=[
            jax.ShapeDtypeStruct((NC, T), jnp.float32),
            jax.ShapeDtypeStruct((NC, T), jnp.float32),
        ],
    )(hidden_states, router_weight, biasT)

    sc_router = functools.partial(
        pl.kernel,
        out_type=[
            jax.ShapeDtypeStruct((T,), jnp.int32),
            jax.ShapeDtypeStruct((T,), jnp.int32),
            jax.ShapeDtypeStruct((T,), jnp.float32),
            jax.ShapeDtypeStruct((T,), jnp.float32),
            jax.ShapeDtypeStruct((T,), jnp.float32),
        ],
        mesh=plsc.VectorSubcoreMesh(core_axis_name="c", subcore_axis_name="s"),
        scratch_types=[
            pltpu.VMEM((NC, T), jnp.float32),
            pltpu.VMEM((NC, T), jnp.float32),
            pltpu.VMEM((16,), jnp.int32),
            pltpu.VMEM((16,), jnp.int32),
            pltpu.VMEM((16,), jnp.float32),
            pltpu.VMEM((16,), jnp.float32),
            pltpu.VMEM((16,), jnp.float32),
        ],
    )(_sc_router)
    i1, i2, w1, w2, zsc = sc_router(sT, scT)

    i1c = i1.reshape(T, 1)
    i2c = i2.reshape(T, 1)
    w1c = w1.reshape(T, 1)
    w2c = w2.reshape(T, 1)
    zscc = zsc.reshape(T, 1)

    sched2d = pl.pallas_call(
        _sched_kernel,
        in_specs=[
            pl.BlockSpec((T, 1), lambda: (0, 0)),
            pl.BlockSpec((T, 1), lambda: (0, 0)),
        ],
        out_specs=pl.BlockSpec((8, 128), lambda: (0, 0)),
        out_shape=jax.ShapeDtypeStruct((8, 128), jnp.int32),
    )(i1c, i2c)

    sched = sched2d[0, 0:E]
    count = sched2d[0, E:E + 1]

    grid_spec = pltpu.PrefetchScalarGridSpec(
        num_scalar_prefetch=2,
        grid=(E,),
        in_specs=[
            pl.BlockSpec((T, H), lambda i, s, c: (0, 0)),
            pl.BlockSpec((T, 1), lambda i, s, c: (0, 0)),
            pl.BlockSpec((T, 1), lambda i, s, c: (0, 0)),
            pl.BlockSpec((T, 1), lambda i, s, c: (0, 0)),
            pl.BlockSpec((T, 1), lambda i, s, c: (0, 0)),
            pl.BlockSpec((T, 1), lambda i, s, c: (0, 0)),
            pl.BlockSpec((1, 2 * F, H), lambda i, s, c: (s[i], 0, 0)),
            pl.BlockSpec((1, H, F), lambda i, s, c: (s[i], 0, 0)),
        ],
        out_specs=pl.BlockSpec((T, H), lambda i, s, c: (0, 0)),
    )
    return pl.pallas_call(
        _expert_kernel,
        grid_spec=grid_spec,
        out_shape=jax.ShapeDtypeStruct((T, H), jnp.float32),
    )(sched, count, hidden_states, i1c, i2c, w1c, w2c, zscc, w13_weight, w2_weight)

# --- scband reference (transcript-rebuilt; emitter-appended) ---
"""Pipeline reference for scband-longcat-flash-mo-e-37752762532032 (READ-ONLY COPY).

The authoritative reference and input builder live on the scoring server;
editing this copy changes nothing except your own understanding.
"""

import jax, jax.numpy as jnp
import numpy as np

T = 64          # num decode tokens (batch=64, q_len=1)
H = 1024        # hidden_size
F = 512         # expert_ffn_hidden_size
E = 64          # n_routed_experts
ZE = 16         # zero_expert_num
K = 2           # moe_topk
SCALE = 2.5     # routed_scaling_factor


def setup_inputs(seed: int = 0) -> dict:
    key = jax.random.key(seed)
    k1, k2, k3, k4 = jax.random.split(key, 4)
    hidden_states = jax.random.normal(k1, (T, H), dtype=jnp.float32)
    # router classifier weight (ReplicatedLinear, fp32, no bias): [n_routed+zero, hidden]
    router_weight = jax.random.normal(k2, (E + ZE, H), dtype=jnp.float32) * 0.02
    e_score_correction_bias = jnp.zeros((E + ZE,), dtype=jnp.float32)
    # FusedMoE weights: w13 fuses gate+up -> [E, 2F, H]; w2 -> [E, H, F]
    w13_weight = jax.random.normal(k3, (E, 2 * F, H), dtype=jnp.float32) * 0.02
    w2_weight = jax.random.normal(k4, (E, H, F), dtype=jnp.float32) * 0.02
    return {
        'hidden_states': hidden_states,
        'router_weight': router_weight,
        'e_score_correction_bias': e_score_correction_bias,
        'w13_weight': w13_weight,
        'w2_weight': w2_weight,
    }


def reference(hidden_states, router_weight, e_score_correction_bias, w13_weight, w2_weight):
    # --- LongcatFlashTopkRouter ---
    logits = hidden_states.astype(jnp.float32) @ router_weight.T            # [T, E+ZE]
    scores = jax.nn.softmax(logits, axis=-1)
    scores_for_choice = scores + e_score_correction_bias[None, :]
    _, topk_ids = jax.lax.top_k(scores_for_choice, K)                       # [T, K] int32
    topk_weights = jnp.take_along_axis(scores, topk_ids, axis=1)            # gather from raw softmax scores
    topk_weights = topk_weights.astype(jnp.float32) * SCALE

    # --- compute_zero_experts ---
    zero_expert_mask = topk_ids >= E
    zero_expert_weights = jnp.where(zero_expert_mask, topk_weights, 0.0)
    total_weights = zero_expert_weights.sum(axis=-1, keepdims=True)
    zero_expert_output = (hidden_states * total_weights).astype(hidden_states.dtype)
    topk_ids = jnp.where(zero_expert_mask, 0, topk_ids)
    topk_weights = jnp.where(zero_expert_mask, 0.0, topk_weights)

    # --- FusedMoE experts (dense dispatch-equivalent of grouped matmul path) ---
    # combine weights [T, E] via scatter-add (token->expert routing)
    cw = jnp.zeros((T, E), dtype=jnp.float32)
    cw = cw.at[jnp.arange(T)[:, None], topk_ids].add(topk_weights)
    # gate_up projection for every (token, expert) pair
    h13 = jnp.einsum('th,efh->tef', hidden_states, w13_weight)              # [T, E, 2F]
    gate, up = jnp.split(h13, 2, axis=-1)
    act = jax.nn.silu(gate) * up                                            # swiglu
    expert_out = jnp.einsum('tef,ehf->teh', act, w2_weight)                 # [T, E, H]
    routed = jnp.einsum('te,teh->th', cw, expert_out)                       # moe_finalize_routing combine
    final_hidden_states = routed + zero_expert_output                       # skip1 = zero_expert_output
    return final_hidden_states


if False:  # reference __main__ guard neutralized (emitter)
    out = reference(**setup_inputs())
    print(out.shape, out.dtype)

if __name__ == "__main__":
    import jax
    _d = setup_inputs()
    print(jax.jit(kernel)(*tuple(_d.values())))

</pallas_src>

<mosaic_0001>
#map = affine_map<(d0, d1) -> (0, 0)>
#map1 = affine_map<(d0, d1) -> (0)>
module attributes {stable_mosaic.version = 14 : i64} {
  func.func @_sc_router(%arg0: i32, %arg1: i32, %arg2: memref<80x64xf32, #tpu.memory_space<hbm>>, %arg3: memref<80x64xf32, #tpu.memory_space<hbm>>, %arg4: memref<64xi32, #tpu.memory_space<hbm>>, %arg5: memref<64xi32, #tpu.memory_space<hbm>>, %arg6: memref<64xf32, #tpu.memory_space<hbm>>, %arg7: memref<64xf32, #tpu.memory_space<hbm>>, %arg8: memref<64xf32, #tpu.memory_space<hbm>>, %arg9: memref<80x64xf32, #tpu.memory_space<vmem>>, %arg10: memref<80x64xf32, #tpu.memory_space<vmem>>, %arg11: memref<16xi32, #tpu.memory_space<vmem>>, %arg12: memref<16xi32, #tpu.memory_space<vmem>>, %arg13: memref<16xf32, #tpu.memory_space<vmem>>, %arg14: memref<16xf32, #tpu.memory_space<vmem>>, %arg15: memref<16xf32, #tpu.memory_space<vmem>>) attributes {dimension_semantics = [#tpu.dimension_semantics<core_parallel>, #tpu.dimension_semantics<subcore_parallel>], iteration_bounds = array<i64: 2, 16>, scalar_prefetch = 0 : i64, scratch_operands = 7 : i64, tpu.core_type = #tpu.core_type<sc_vector_subcore>, window_params = [{transform_indices = #map}, {transform_indices = #map}, {transform_indices = #map1}, {transform_indices = #map1}, {transform_indices = #map1}, {transform_indices = #map1}, {transform_indices = #map1}]} {
    %mul3A = arith.constant 2 : i32
    %mul3A_0 = arith.muli %arg1, %mul3A : i32
    %add3A = arith.addi %mul3A_0, %arg0 : i32
    %lt3A = arith.constant 4 : i32
    %lt3A_1 = arith.cmpi slt, %add3A, %lt3A : i32
    %convert_element_type3A = arith.extui %lt3A_1 : i1 to i32
    %cond3A = arith.constant 0 : i32
    %cond3A_2 = arith.cmpi ne, %convert_element_type3A, %cond3A : i32
    scf.if %cond3A_2 {
      %mul3A_3 = arith.constant 16 : i32
      %mul3A_4 = arith.muli %add3A, %mul3A_3 : i32
      %multiple_of3A = tpu.assume_multiple %mul3A_4, 16 : i32
      "tpu.region"() ({
        %run_scoped3A = tpu.sem_alloc : memref<!tpu.dma_semaphore, #tpu.memory_space<semaphore_mem>>
        tpu.enqueue_dma source(%arg2 : memref<80x64xf32, #tpu.memory_space<hbm>>) target(%arg9 : memref<80x64xf32, #tpu.memory_space<vmem>>) target_semaphore(%run_scoped3A : memref<!tpu.dma_semaphore, #tpu.memory_space<semaphore_mem>>)
        tpu.wait_dma2 semaphore(%run_scoped3A : memref<!tpu.dma_semaphore, #tpu.memory_space<semaphore_mem>>) src(%arg2 : memref<80x64xf32, #tpu.memory_space<hbm>>) dst(%arg9 : memref<80x64xf32, #tpu.memory_space<vmem>>)
        tpu.yield
      }) : () -> ()
      "tpu.region"() ({
        %run_scoped3A = tpu.sem_alloc : memref<!tpu.dma_semaphore, #tpu.memory_space<semaphore_mem>>
        tpu.enqueue_dma source(%arg3 : memref<80x64xf32, #tpu.memory_space<hbm>>) target(%arg10 : memref<80x64xf32, #tpu.memory_space<vmem>>) target_semaphore(%run_scoped3A : memref<!tpu.dma_semaphore, #tpu.memory_space<semaphore_mem>>)
        tpu.wait_dma2 semaphore(%run_scoped3A : memref<!tpu.dma_semaphore, #tpu.memory_space<semaphore_mem>>) src(%arg3 : memref<80x64xf32, #tpu.memory_space<hbm>>) dst(%arg10 : memref<80x64xf32, #tpu.memory_space<vmem>>)
        tpu.yield
      }) : () -> ()
      %broadcast_in_dim3A = arith.constant 0xFF800000 : f32
      %broadcast_in_dim3A_5 = vector.broadcast %broadcast_in_dim3A : f32 to vector<16xf32>
      %broadcast_in_dim3A_6 = arith.constant 0 : i32
      %broadcast_in_dim3A_7 = vector.broadcast %broadcast_in_dim3A_6 : i32 to vector<16xi32>
      %broadcast_in_dim3A_8 = arith.constant 0.000000e+00 : f32
      %broadcast_in_dim3A_9 = vector.broadcast %broadcast_in_dim3A_8 : f32 to vector<16xf32>
      %scan3A = arith.constant 0 : i32
      %scan3A_10 = arith.constant 80 : i32
      %scan3A_11 = arith.addi %scan3A, %scan3A_10 : i32
      %scan3A_12 = arith.constant 1 : i32
      %scan3A_13:6 = scf.for %scan3A_56 = %scan3A to %scan3A_11 step %scan3A_12 iter_args(%scan3A_57 = %broadcast_in_dim3A_5, %scan3A_58 = %broadcast_in_dim3A_7, %scan3A_59 = %broadcast_in_dim3A_9, %scan3A_60 = %broadcast_in_dim3A_5, %scan3A_61 = %broadcast_in_dim3A_7, %scan3A_62 = %broadcast_in_dim3A_9) -> (vector<16xf32>, vector<16xi32>, vector<16xf32>, vector<16xf32>, vector<16xi32>, vector<16xf32>)  : i32 {
        %get3A = arith.index_cast %scan3A_56 : i32 to index
        %get3A_63 = arith.index_cast %multiple_of3A : i32 to index
        %get3A_64 = tpu.vector_load %arg10[%get3A, %get3A_63] {strides = array<i32>} : memref<80x64xf32, #tpu.memory_space<vmem>>, vector<1x16xf32>,
        %get3A_65 = vector.shape_cast %get3A_64 : vector<1x16xf32> to vector<16xf32>
        %get3A_66 = arith.index_cast %scan3A_56 : i32 to index
        %get3A_67 = arith.index_cast %multiple_of3A : i32 to index
        %get3A_68 = tpu.vector_load %arg9[%get3A_66, %get3A_67] {strides = array<i32>} : memref<80x64xf32, #tpu.memory_space<vmem>>, vector<1x16xf32>,
        %get3A_69 = vector.shape_cast %get3A_68 : vector<1x16xf32> to vector<16xf32>
        %broadcast_in_dim3A_70 = arith.constant 0 : i32
        %broadcast_in_dim3A_71 = vector.broadcast %broadcast_in_dim3A_70 : i32 to vector<16xi32>
        %add3A_72 = vector.broadcast %scan3A_56 : i32 to vector<16xi32>
        %add3A_73 = arith.addi %broadcast_in_dim3A_71, %add3A_72 : vector<16xi32>
        %gt3A = arith.cmpf ogt, %get3A_65, %scan3A_57 : vector<16xf32>
        %gt3A_74 = arith.cmpf ogt, %get3A_65, %scan3A_60 : vector<16xf32>
        %select_n3A_75 = arith.select %gt3A_74, %get3A_65, %scan3A_60 : vector<16xi1>, vector<16xf32>
        %select_n3A_76 = arith.select %gt3A, %scan3A_57, %select_n3A_75 : vector<16xi1>, vector<16xf32>
        %select_n3A_77 = arith.select %gt3A_74, %add3A_73, %scan3A_61 : vector<16xi1>, vector<16xi32>
        %select_n3A_78 = arith.select %gt3A, %scan3A_58, %select_n3A_77 : vector<16xi1>, vector<16xi32>
        %select_n3A_79 = arith.select %gt3A_74, %get3A_69, %scan3A_62 : vector<16xi1>, vector<16xf32>
        %select_n3A_80 = arith.select %gt3A, %scan3A_59, %select_n3A_79 : vector<16xi1>, vector<16xf32>
        %select_n3A_81 = arith.select %gt3A, %get3A_65, %scan3A_57 : vector<16xi1>, vector<16xf32>
        %select_n3A_82 = arith.select %gt3A, %add3A_73, %scan3A_58 : vector<16xi1>, vector<16xi32>
        %select_n3A_83 = arith.select %gt3A, %get3A_69, %scan3A_59 : vector<16xi1>, vector<16xf32>
        scf.yield %select_n3A_81, %select_n3A_82, %select_n3A_83, %select_n3A_76, %select_n3A_78, %select_n3A_80 : vector<16xf32>, vector<16xi32>, vector<16xf32>, vector<16xf32>, vector<16xi32>, vector<16xf32>
      }
      %scan3A_14 = arith.constant 80 : i32
      %mul3A_15 = arith.constant 2.500000e+00 : f32
      %mul3A_16 = vector.broadcast %mul3A_15 : f32 to vector<16xf32>
      %mul3A_17 = arith.mulf %scan3A_13#2, %mul3A_16 : vector<16xf32>
      %mul3A_18 = arith.constant 2.500000e+00 : f32
      %mul3A_19 = vector.broadcast %mul3A_18 : f32 to vector<16xf32>
      %mul3A_20 = arith.mulf %scan3A_13#5, %mul3A_19 : vector<16xf32>
      %ge3A = arith.constant 64 : i32
      %ge3A_21 = vector.broadcast %ge3A : i32 to vector<16xi32>
      %ge3A_22 = arith.cmpi sge, %scan3A_13#1, %ge3A_21 : vector<16xi32>
      %ge3A_23 = arith.constant 64 : i32
      %ge3A_24 = vector.broadcast %ge3A_23 : i32 to vector<16xi32>
      %ge3A_25 = arith.cmpi sge, %scan3A_13#4, %ge3A_24 : vector<16xi32>
      %jit3A = arith.constant 0.000000e+00 : f32
      %broadcast_in_dim3A_26 = vector.broadcast %jit3A : f32 to vector<16xf32>
      %select_n3A = arith.select %ge3A_22, %mul3A_17, %broadcast_in_dim3A_26 : vector<16xi1>, vector<16xf32>
      %jit3A_27 = arith.constant 0.000000e+00 : f32
      %broadcast_in_dim3A_28 = vector.broadcast %jit3A_27 : f32 to vector<16xf32>
      %select_n3A_29 = arith.select %ge3A_25, %mul3A_20, %broadcast_in_dim3A_28 : vector<16xi1>, vector<16xf32>
      %add3A_30 = arith.addf %select_n3A, %select_n3A_29 : vector<16xf32>
      %jit3A_31 = arith.constant 0.000000e+00 : f32
      %broadcast_in_dim3A_32 = vector.broadcast %jit3A_31 : f32 to vector<16xf32>
      %select_n3A_33 = arith.select %ge3A_22, %broadcast_in_dim3A_32, %mul3A_17 : vector<16xi1>, vector<16xf32>
      %jit3A_34 = arith.constant 0.000000e+00 : f32
      %broadcast_in_dim3A_35 = vector.broadcast %jit3A_34 : f32 to vector<16xf32>
      %select_n3A_36 = arith.select %ge3A_25, %broadcast_in_dim3A_35, %mul3A_20 : vector<16xi1>, vector<16xf32>
      %swap3A = arith.constant 0 : index
      %swap3A_37 = tpu.vector_load %arg11[%swap3A] {strides = array<i32>} : memref<16xi32, #tpu.memory_space<vmem>>, vector<16xi32>,
      %swap3A_38 = vector.shape_cast %swap3A_37 : vector<16xi32> to vector<16xi32>
      %swap3A_39 = vector.shape_cast %scan3A_13#1 : vector<16xi32> to vector<16xi32>
      tpu.vector_store %arg11[%swap3A], %swap3A_39 {strides = array<i32>} : memref<16xi32, #tpu.memory_space<vmem>>, vector<16xi32>,
      %swap3A_40 = arith.constant 0 : index
      %swap3A_41 = tpu.vector_load %arg12[%swap3A_40] {strides = array<i32>} : memref<16xi32, #tpu.memory_space<vmem>>, vector<16xi32>,
      %swap3A_42 = vector.shape_cast %swap3A_41 : vector<16xi32> to vector<16xi32>
      %swap3A_43 = vector.shape_cast %scan3A_13#4 : vector<16xi32> to vector<16xi32>
      tpu.vector_store %arg12[%swap3A_40], %swap3A_43 {strides = array<i32>} : memref<16xi32, #tpu.memory_space<vmem>>, vector<16xi32>,
      %swap3A_44 = arith.constant 0 : index
      %swap3A_45 = tpu.vector_load %arg13[%swap3A_44] {strides = array<i32>} : memref<16xf32, #tpu.memory_space<vmem>>, vector<16xf32>,
      %swap3A_46 = vector.shape_cast %swap3A_45 : vector<16xf32> to vector<16xf32>
      %swap3A_47 = vector.shape_cast %select_n3A_33 : vector<16xf32> to vector<16xf32>
      tpu.vector_store %arg13[%swap3A_44], %swap3A_47 {strides = array<i32>} : memref<16xf32, #tpu.memory_space<vmem>>, vector<16xf32>,
      %swap3A_48 = arith.constant 0 : index
      %swap3A_49 = tpu.vector_load %arg14[%swap3A_48] {strides = array<i32>} : memref<16xf32, #tpu.memory_space<vmem>>, vector<16xf32>,
      %swap3A_50 = vector.shape_cast %swap3A_49 : vector<16xf32> to vector<16xf32>
      %swap3A_51 = vector.shape_cast %select_n3A_36 : vector<16xf32> to vector<16xf32>
      tpu.vector_store %arg14[%swap3A_48], %swap3A_51 {strides = array<i32>} : memref<16xf32, #tpu.memory_space<vmem>>, vector<16xf32>,
      %swap3A_52 = arith.constant 0 : index
      %swap3A_53 = tpu.vector_load %arg15[%swap3A_52] {strides = array<i32>} : memref<16xf32, #tpu.memory_space<vmem>>, vector<16xf32>,
      %swap3A_54 = vector.shape_cast %swap3A_53 : vector<16xf32> to vector<16xf32>
      %swap3A_55 = vector.shape_cast %add3A_30 : vector<16xf32> to vector<16xf32>
      tpu.vector_store %arg15[%swap3A_52], %swap3A_55 {strides = array<i32>} : memref<16xf32, #tpu.memory_space<vmem>>, vector<16xf32>,
      "tpu.region"() ({
        %run_scoped3A = tpu.sem_alloc : memref<!tpu.dma_semaphore, #tpu.memory_space<semaphore_mem>>
        %dma_start3A = tpu.memref_slice %arg4[%multiple_of3A] : memref<64xi32, #tpu.memory_space<hbm>> -> memref<16xi32, #tpu.memory_space<hbm>>
        %dma_start3A_56 = tpu.memref_slice %arg4[%multiple_of3A] : memref<64xi32, #tpu.memory_space<hbm>> -> memref<16xi32, #tpu.memory_space<hbm>>
        tpu.enqueue_dma source(%arg11 : memref<16xi32, #tpu.memory_space<vmem>>) target(%dma_start3A_56 : memref<16xi32, #tpu.memory_space<hbm>>) target_semaphore(%run_scoped3A : memref<!tpu.dma_semaphore, #tpu.memory_space<semaphore_mem>>)
        %dma_wait3A = tpu.memref_slice %arg4[%multiple_of3A] : memref<64xi32, #tpu.memory_space<hbm>> -> memref<16xi32, #tpu.memory_space<hbm>>
        %dma_wait3A_57 = tpu.memref_slice %arg4[%multiple_of3A] : memref<64xi32, #tpu.memory_space<hbm>> -> memref<16xi32, #tpu.memory_space<hbm>>
        tpu.wait_dma2 semaphore(%run_scoped3A : memref<!tpu.dma_semaphore, #tpu.memory_space<semaphore_mem>>) src(%arg11 : memref<16xi32, #tpu.memory_space<vmem>>) dst(%dma_wait3A_57 : memref<16xi32, #tpu.memory_space<hbm>>)
        tpu.yield
      }) : () -> ()
      "tpu.region"() ({
        %run_scoped3A = tpu.sem_alloc : memref<!tpu.dma_semaphore, #tpu.memory_space<semaphore_mem>>
        %dma_start3A = tpu.memref_slice %arg5[%multiple_of3A] : memref<64xi32, #tpu.memory_space<hbm>> -> memref<16xi32, #tpu.memory_space<hbm>>
        %dma_start3A_56 = tpu.memref_slice %arg5[%multiple_of3A] : memref<64xi32, #tpu.memory_space<hbm>> -> memref<16xi32, #tpu.memory_space<hbm>>
        tpu.enqueue_dma source(%arg12 : memref<16xi32, #tpu.memory_space<vmem>>) target(%dma_start3A_56 : memref<16xi32, #tpu.memory_space<hbm>>) target_semaphore(%run_scoped3A : memref<!tpu.dma_semaphore, #tpu.memory_space<semaphore_mem>>)
        %dma_wait3A = tpu.memref_slice %arg5[%multiple_of3A] : memref<64xi32, #tpu.memory_space<hbm>> -> memref<16xi32, #tpu.memory_space<hbm>>
        %dma_wait3A_57 = tpu.memref_slice %arg5[%multiple_of3A] : memref<64xi32, #tpu.memory_space<hbm>> -> memref<16xi32, #tpu.memory_space<hbm>>
        tpu.wait_dma2 semaphore(%run_scoped3A : memref<!tpu.dma_semaphore, #tpu.memory_space<semaphore_mem>>) src(%arg12 : memref<16xi32, #tpu.memory_space<vmem>>) dst(%dma_wait3A_57 : memref<16xi32, #tpu.memory_space<hbm>>)
        tpu.yield
      }) : () -> ()
      "tpu.region"() ({
        %run_scoped3A = tpu.sem_alloc : memref<!tpu.dma_semaphore, #tpu.memory_space<semaphore_mem>>
        %dma_start3A = tpu.memref_slice %arg6[%multiple_of3A] : memref<64xf32, #tpu.memory_space<hbm>> -> memref<16xf32, #tpu.memory_space<hbm>>
        %dma_start3A_56 = tpu.memref_slice %arg6[%multiple_of3A] : memref<64xf32, #tpu.memory_space<hbm>> -> memref<16xf32, #tpu.memory_space<hbm>>
        tpu.enqueue_dma source(%arg13 : memref<16xf32, #tpu.memory_space<vmem>>) target(%dma_start3A_56 : memref<16xf32, #tpu.memory_space<hbm>>) target_semaphore(%run_scoped3A : memref<!tpu.dma_semaphore, #tpu.memory_space<semaphore_mem>>)
        %dma_wait3A = tpu.memref_slice %arg6[%multiple_of3A] : memref<64xf32, #tpu.memory_space<hbm>> -> memref<16xf32, #tpu.memory_space<hbm>>
        %dma_wait3A_57 = tpu.memref_slice %arg6[%multiple_of3A] : memref<64xf32, #tpu.memory_space<hbm>> -> memref<16xf32, #tpu.memory_space<hbm>>
        tpu.wait_dma2 semaphore(%run_scoped3A : memref<!tpu.dma_semaphore, #tpu.memory_space<semaphore_mem>>) src(%arg13 : memref<16xf32, #tpu.memory_space<vmem>>) dst(%dma_wait3A_57 : memref<16xf32, #tpu.memory_space<hbm>>)
        tpu.yield
      }) : () -> ()
      "tpu.region"() ({
        %run_scoped3A = tpu.sem_alloc : memref<!tpu.dma_semaphore, #tpu.memory_space<semaphore_mem>>
        %dma_start3A = tpu.memref_slice %arg7[%multiple_of3A] : memref<64xf32, #tpu.memory_space<hbm>> -> memref<16xf32, #tpu.memory_space<hbm>>
        %dma_start3A_56 = tpu.memref_slice %arg7[%multiple_of3A] : memref<64xf32, #tpu.memory_space<hbm>> -> memref<16xf32, #tpu.memory_space<hbm>>
        tpu.enqueue_dma source(%arg14 : memref<16xf32, #tpu.memory_space<vmem>>) target(%dma_start3A_56 : memref<16xf32, #tpu.memory_space<hbm>>) target_semaphore(%run_scoped3A : memref<!tpu.dma_semaphore, #tpu.memory_space<semaphore_mem>>)
        %dma_wait3A = tpu.memref_slice %arg7[%multiple_of3A] : memref<64xf32, #tpu.memory_space<hbm>> -> memref<16xf32, #tpu.memory_space<hbm>>
        %dma_wait3A_57 = tpu.memref_slice %arg7[%multiple_of3A] : memref<64xf32, #tpu.memory_space<hbm>> -> memref<16xf32, #tpu.memory_space<hbm>>
        tpu.wait_dma2 semaphore(%run_scoped3A : memref<!tpu.dma_semaphore, #tpu.memory_space<semaphore_mem>>) src(%arg14 : memref<16xf32, #tpu.memory_space<vmem>>) dst(%dma_wait3A_57 : memref<16xf32, #tpu.memory_space<hbm>>)
        tpu.yield
      }) : () -> ()
      "tpu.region"() ({
        %run_scoped3A = tpu.sem_alloc : memref<!tpu.dma_semaphore, #tpu.memory_space<semaphore_mem>>
        %dma_start3A = tpu.memref_slice %arg8[%multiple_of3A] : memref<64xf32, #tpu.memory_space<hbm>> -> memref<16xf32, #tpu.memory_space<hbm>>
        %dma_start3A_56 = tpu.memref_slice %arg8[%multiple_of3A] : memref<64xf32, #tpu.memory_space<hbm>> -> memref<16xf32, #tpu.memory_space<hbm>>
        tpu.enqueue_dma source(%arg15 : memref<16xf32, #tpu.memory_space<vmem>>) target(%dma_start3A_56 : memref<16xf32, #tpu.memory_space<hbm>>) target_semaphore(%run_scoped3A : memref<!tpu.dma_semaphore, #tpu.memory_space<semaphore_mem>>)
        %dma_wait3A = tpu.memref_slice %arg8[%multiple_of3A] : memref<64xf32, #tpu.memory_space<hbm>> -> memref<16xf32, #tpu.memory_space<hbm>>
        %dma_wait3A_57 = tpu.memref_slice %arg8[%multiple_of3A] : memref<64xf32, #tpu.memory_space<hbm>> -> memref<16xf32, #tpu.memory_space<hbm>>
        tpu.wait_dma2 semaphore(%run_scoped3A : memref<!tpu.dma_semaphore, #tpu.memory_space<semaphore_mem>>) src(%arg15 : memref<16xf32, #tpu.memory_space<vmem>>) dst(%dma_wait3A_57 : memref<16xf32, #tpu.memory_space<hbm>>)
        tpu.yield
      }) : () -> ()
    } else {
    }
    return
  }
}

module attributes {stable_mosaic.version = 14 : i64} {
  func.func @_logits_kernel(%arg0: memref<64x1024xf32, #tpu.memory_space<vmem>>, %arg1: memref<80x1024xf32, #tpu.memory_space<vmem>>, %arg2: memref<80x1xf32, #tpu.memory_space<vmem>>, %arg3: memref<80x64xf32, #tpu.memory_space<vmem>>, %arg4: memref<80x64xf32, #tpu.memory_space<vmem>>) attributes {dimension_semantics = [], scalar_prefetch = 0 : i64, scratch_operands = 0 : i64, tpu.core_type = #tpu.core_type<tc>} {
    %get3A = arith.constant 0 : index
    %get3A_0 = arith.constant 0 : index
    %get3A_1 = vector.load %arg1[%get3A, %get3A_0] : memref<80x1024xf32, #tpu.memory_space<vmem>>, vector<80x1024xf32>
    %get3A_2 = arith.constant 0 : index
    %get3A_3 = arith.constant 0 : index
    %get3A_4 = vector.load %arg0[%get3A_2, %get3A_3] : memref<64x1024xf32, #tpu.memory_space<vmem>>, vector<64x1024xf32>
    %dot_general3A = arith.constant dense<0.000000e+00> : vector<80x64xf32>
    %dot_general3A_5 = tpu.matmul %get3A_1, %get3A_4, %dot_general3A {dimension_numbers = #tpu.dot_dimension_numbers<[1], [1], [0], [0], [0, 0, 1, 0], [], []>, transpose_lhs_hint = false} : vector<80x1024xf32>, vector<64x1024xf32>, vector<80x64xf32> -> vector<80x64xf32>
    %reduce_max3A = arith.constant dense<0xFF800000> : vector<64xf32>
    %reduce_max3A_6 = vector.multi_reduction <maximumf>, %dot_general3A_5, %reduce_max3A [0] : vector<80x64xf32> to vector<64xf32>
    %max3A = arith.constant 0xFF800000 : f32
    %max3A_7 = vector.broadcast %max3A : f32 to vector<64xf32>
    %max3A_8 = arith.maximumf %max3A_7, %reduce_max3A_6 : vector<64xf32>
    %broadcast_in_dim3A = vector.shape_cast %max3A_8 : vector<64xf32> to vector<1x64xf32>
    %sub3A = vector.broadcast %broadcast_in_dim3A : vector<1x64xf32> to vector<80x64xf32>
    %sub3A_9 = arith.subf %dot_general3A_5, %sub3A : vector<80x64xf32>
    %exp3A = math.exp %sub3A_9 : vector<80x64xf32>
    %reduce_sum3A = arith.constant dense<0.000000e+00> : vector<64xf32>
    %reduce_sum3A_10 = vector.multi_reduction <add>, %exp3A, %reduce_sum3A [0] : vector<80x64xf32> to vector<64xf32>
    %broadcast_in_dim3A_11 = vector.shape_cast %reduce_sum3A_10 : vector<64xf32> to vector<1x64xf32>
    %div3A = vector.broadcast %broadcast_in_dim3A_11 : vector<1x64xf32> to vector<80x64xf32>
    %div3A_12 = arith.divf %exp3A, %div3A : vector<80x64xf32>
    %swap3A = arith.constant 0 : index
    %swap3A_13 = arith.constant 0 : index
    %swap3A_14 = vector.load %arg3[%swap3A, %swap3A_13] : memref<80x64xf32, #tpu.memory_space<vmem>>, vector<80x64xf32>
    tpu.vector_store %arg3[%swap3A, %swap3A_13], %div3A_12 {strides = array<i32>} : memref<80x64xf32, #tpu.memory_space<vmem>>, vector<80x64xf32>,
    %get3A_15 = arith.constant 0 : index
    %get3A_16 = arith.constant 0 : index
    %get3A_17 = vector.load %arg2[%get3A_15, %get3A_16] : memref<80x1xf32, #tpu.memory_space<vmem>>, vector<80x1xf32>
    %add3A = vector.broadcast %get3A_17 : vector<80x1xf32> to vector<80x64xf32>
    %add3A_18 = arith.addf %div3A_12, %add3A : vector<80x64xf32>
    %swap3A_19 = arith.constant 0 : index
    %swap3A_20 = arith.constant 0 : index
    %swap3A_21 = vector.load %arg4[%swap3A_19, %swap3A_20] : memref<80x64xf32, #tpu.memory_space<vmem>>, vector<80x64xf32>
    tpu.vector_store %arg4[%swap3A_19, %swap3A_20], %add3A_18 {strides = array<i32>} : memref<80x64xf32, #tpu.memory_space<vmem>>, vector<80x64xf32>,
    return
  }
}

module attributes {stable_mosaic.version = 14 : i64} {
  func.func @_sched_kernel(%arg0: memref<64x1xi32, #tpu.memory_space<vmem>>, %arg1: memref<64x1xi32, #tpu.memory_space<vmem>>, %arg2: memref<8x128xi32, #tpu.memory_space<vmem>>) attributes {dimension_semantics = [], scalar_prefetch = 0 : i64, scratch_operands = 0 : i64, tpu.core_type = #tpu.core_type<tc>} {
    %get3A = arith.constant 0 : index
    %get3A_0 = arith.constant 0 : index
    %get3A_1 = vector.load %arg0[%get3A, %get3A_0] : memref<64x1xi32, #tpu.memory_space<vmem>>, vector<64x1xi32>
    %get3A_2 = arith.constant 0 : index
    %get3A_3 = arith.constant 0 : index
    %get3A_4 = vector.load %arg1[%get3A_2, %get3A_3] : memref<64x1xi32, #tpu.memory_space<vmem>>, vector<64x1xi32>
    %iota3A = tpu.iota {dimensions = array<i32: 1>} : vector<64x64xi32>
    %eq3A = vector.broadcast %get3A_1 : vector<64x1xi32> to vector<64x64xi32>
    %eq3A_5 = arith.cmpi eq, %eq3A, %iota3A : vector<64x64xi32>
    %eq3A_6 = vector.broadcast %get3A_4 : vector<64x1xi32> to vector<64x64xi32>
    %eq3A_7 = arith.cmpi eq, %eq3A_6, %iota3A : vector<64x64xi32>
    %or3A = arith.ori %eq3A_5, %eq3A_7 : vector<64x64xi1>
    %convert_element_type3A = arith.extui %or3A : vector<64x64xi1> to vector<64x64xi32>
    %convert_element_type3A_8 = arith.sitofp %convert_element_type3A : vector<64x64xi32> to vector<64x64xf32>
    %broadcast_in_dim3A = arith.constant 1.000000e+00 : f32
    %broadcast_in_dim3A_9 = vector.broadcast %broadcast_in_dim3A : f32 to vector<64x1xf32>
    %dot_general3A = arith.constant dense<0.000000e+00> : vector<64x1xf32>
    %dot_general3A_10 = tpu.matmul %convert_element_type3A_8, %broadcast_in_dim3A_9, %dot_general3A {dimension_numbers = #tpu.dot_dimension_numbers<[0], [0], [1], [1], [0, 1, 1, 1], [], []>, transpose_lhs_hint = false} : vector<64x64xf32>, vector<64x1xf32>, vector<64x1xf32> -> vector<64x1xf32>
    %gt3A = arith.constant 0.000000e+00 : f32
    %gt3A_11 = vector.broadcast %gt3A : f32 to vector<64x1xf32>
    %gt3A_12 = arith.cmpf ogt, %dot_general3A_10, %gt3A_11 : vector<64x1xf32>
    %convert_element_type3A_13 = arith.extui %gt3A_12 : vector<64x1xi1> to vector<64x1xi32>
    %convert_element_type3A_14 = arith.sitofp %convert_element_type3A_13 : vector<64x1xi32> to vector<64x1xf32>
    %iota3A_15 = tpu.iota {dimensions = array<i32: 0>} : vector<64x64xi32>
    %iota3A_16 = tpu.iota {dimensions = array<i32: 1>} : vector<64x64xi32>
    %ge3A = arith.cmpi sge, %iota3A_15, %iota3A_16 : vector<64x64xi32>
    %convert_element_type3A_17 = arith.extui %ge3A : vector<64x64xi1> to vector<64x64xi32>
    %convert_element_type3A_18 = arith.sitofp %convert_element_type3A_17 : vector<64x64xi32> to vector<64x64xf32>
    %dot_general3A_19 = arith.constant dense<0.000000e+00> : vector<64x1xf32>
    %dot_general3A_20 = tpu.matmul %convert_element_type3A_18, %convert_element_type3A_14, %dot_general3A_19 {dimension_numbers = #tpu.dot_dimension_numbers<[1], [0], [0], [1], [0, 0, 1, 1], [], []>, transpose_lhs_hint = false} : vector<64x64xf32>, vector<64x1xf32>, vector<64x1xf32> -> vector<64x1xf32>
    %iota3A_21 = tpu.iota {dimensions = array<i32: 1>} : vector<1x64xi32>
    %convert_element_type3A_22 = arith.fptosi %dot_general3A_20 : vector<64x1xf32> to vector<64x1xi32>
    %add3A = arith.constant 1 : i32
    %add3A_23 = vector.broadcast %add3A : i32 to vector<1x64xi32>
    %add3A_24 = arith.addi %iota3A_21, %add3A_23 : vector<1x64xi32>
    %eq3A_25 = vector.broadcast %convert_element_type3A_22 : vector<64x1xi32> to vector<64x64xi32>
    %eq3A_26 = vector.broadcast %add3A_24 : vector<1x64xi32> to vector<64x64xi32>
    %eq3A_27 = arith.cmpi eq, %eq3A_25, %eq3A_26 : vector<64x64xi32>
    %gt3A_28 = arith.constant 0.000000e+00 : f32
    %gt3A_29 = vector.broadcast %gt3A_28 : f32 to vector<64x1xf32>
    %gt3A_30 = arith.cmpf ogt, %convert_element_type3A_14, %gt3A_29 : vector<64x1xf32>
    %and3A = vector.broadcast %gt3A_30 : vector<64x1xi1> to vector<64x64xi1>
    %and3A_31 = arith.andi %eq3A_27, %and3A : vector<64x64xi1>
    %convert_element_type3A_32 = arith.extui %and3A_31 : vector<64x64xi1> to vector<64x64xi32>
    %convert_element_type3A_33 = arith.sitofp %convert_element_type3A_32 : vector<64x64xi32> to vector<64x64xf32>
    %iota3A_34 = tpu.iota {dimensions = array<i32: 1>} : vector<1x64xi32>
    %convert_element_type3A_35 = arith.sitofp %iota3A_34 : vector<1x64xi32> to vector<1x64xf32>
    %dot_general3A_36 = arith.constant dense<0.000000e+00> : vector<1x64xf32>
    %dot_general3A_37 = tpu.matmul %convert_element_type3A_35, %convert_element_type3A_33, %dot_general3A_36 {dimension_numbers = #tpu.dot_dimension_numbers<[1], [0], [0], [1], [0, 0, 1, 1], [], []>, transpose_lhs_hint = false} : vector<1x64xf32>, vector<64x64xf32>, vector<1x64xf32> -> vector<1x64xf32>
    %reduce_sum3A = arith.constant dense<0.000000e+00> : vector<1xf32>
    %reduce_sum3A_38 = vector.multi_reduction <add>, %convert_element_type3A_14, %reduce_sum3A [0] : vector<64x1xf32> to vector<1xf32>
    %broadcast_in_dim3A_39 = vector.shape_cast %reduce_sum3A_38 : vector<1xf32> to vector<1x1xf32>
    %convert_element_type3A_40 = arith.fptosi %broadcast_in_dim3A_39 : vector<1x1xf32> to vector<1x1xi32>
    %iota3A_41 = tpu.iota {dimensions = array<i32: 0>} : vector<64x1xi32>
    %gt3A_42 = arith.constant 0.000000e+00 : f32
    %gt3A_43 = vector.broadcast %gt3A_42 : f32 to vector<64x1xf32>
    %gt3A_44 = arith.cmpf ogt, %convert_element_type3A_14, %gt3A_43 : vector<64x1xf32>
    %jit3A = arith.constant -1 : i32
    %broadcast_in_dim3A_45 = vector.broadcast %jit3A : i32 to vector<64x1xi32>
    %select_n3A = arith.select %gt3A_44, %iota3A_41, %broadcast_in_dim3A_45 : vector<64x1xi1>, vector<64x1xi32>
    %reduce_max3A = arith.constant dense<-2147483648> : vector<1xi32>
    %reduce_max3A_46 = vector.multi_reduction <maxsi>, %select_n3A, %reduce_max3A [0] : vector<64x1xi32> to vector<1xi32>
    %broadcast_in_dim3A_47 = vector.shape_cast %reduce_max3A_46 : vector<1xi32> to vector<1x1xi32>
    %lt3A = vector.broadcast %convert_element_type3A_40 : vector<1x1xi32> to vector<1x64xi32>
    %lt3A_48 = arith.cmpi slt, %iota3A_21, %lt3A : vector<1x64xi32>
    %convert_element_type3A_49 = arith.fptosi %dot_general3A_37 : vector<1x64xf32> to vector<1x64xi32>
    %max3A = arith.constant 0 : i32
    %max3A_50 = vector.broadcast %max3A : i32 to vector<1x1xi32>
    %max3A_51 = arith.maxsi %broadcast_in_dim3A_47, %max3A_50 : vector<1x1xi32>
    %broadcast_in_dim3A_52 = vector.shape_cast %max3A_51 : vector<1x1xi32> to vector<1x1xi32>
    %broadcast_in_dim3A_53 = vector.broadcast %broadcast_in_dim3A_52 : vector<1x1xi32> to vector<1x64xi32>
    %select_n3A_54 = arith.select %lt3A_48, %convert_element_type3A_49, %broadcast_in_dim3A_53 : vector<1x64xi1>, vector<1x64xi32>
    %broadcast_in_dim3A_55 = arith.constant 0 : i32
    %broadcast_in_dim3A_56 = vector.broadcast %broadcast_in_dim3A_55 : i32 to vector<8x128xi32>
    %swap3A = arith.constant 0 : index
    %swap3A_57 = arith.constant 0 : index
    %swap3A_58 = vector.load %arg2[%swap3A, %swap3A_57] : memref<8x128xi32, #tpu.memory_space<vmem>>, vector<8x128xi32>
    tpu.vector_store %arg2[%swap3A, %swap3A_57], %broadcast_in_dim3A_56 {strides = array<i32>} : memref<8x128xi32, #tpu.memory_space<vmem>>, vector<8x128xi32>,
    %swap3A_59 = arith.constant 0 : index
    %swap3A_60 = arith.constant 0 : index
    %swap3A_61 = vector.load %arg2[%swap3A_59, %swap3A_60] : memref<8x128xi32, #tpu.memory_space<vmem>>, vector<1x64xi32>
    tpu.vector_store %arg2[%swap3A_59, %swap3A_60], %select_n3A_54 {strides = array<i32>} : memref<8x128xi32, #tpu.memory_space<vmem>>, vector<1x64xi32>,
    %swap3A_62 = arith.constant 0 : index
    %swap3A_63 = arith.constant 64 : index
    %swap3A_64 = vector.load %arg2[%swap3A_62, %swap3A_63] : memref<8x128xi32, #tpu.memory_space<vmem>>, vector<1x1xi32>
    tpu.vector_store %arg2[%swap3A_62, %swap3A_63], %convert_element_type3A_40 {strides = array<i32>} : memref<8x128xi32, #tpu.memory_space<vmem>>, vector<1x1xi32>,
    return
  }
}

module attributes {stable_mosaic.version = 14 : i64} {
  func.func @_expert_kernel(%arg0: i32, %arg1: memref<64xi32, #tpu.memory_space<smem>>, %arg2: memref<1xi32, #tpu.memory_space<smem>>, %arg3: memref<64x1024xf32, #tpu.memory_space<vmem>>, %arg4: memref<64x1xi32, #tpu.memory_space<vmem>>, %arg5: memref<64x1xi32, #tpu.memory_space<vmem>>, %arg6: memref<64x1xf32, #tpu.memory_space<vmem>>, %arg7: memref<64x1xf32, #tpu.memory_space<vmem>>, %arg8: memref<64x1xf32, #tpu.memory_space<vmem>>, %arg9: memref<1x1024x1024xf32, #tpu.memory_space<vmem>>, %arg10: memref<1x1024x512xf32, #tpu.memory_space<vmem>>, %arg11: memref<64x1024xf32, #tpu.memory_space<vmem>>) attributes {dimension_semantics = [#tpu.dimension_semantics<arbitrary>], iteration_bounds = array<i64: 64>, scalar_prefetch = 2 : i64, scratch_operands = 0 : i64, tpu.core_type = #tpu.core_type<tc>, window_params = [{pipeline_mode = #tpu.pipeline_mode<synchronous>, transform_indices = @transform_0, window_bounds = array<i64: 64, 1024>}, {pipeline_mode = #tpu.pipeline_mode<synchronous>, transform_indices = @transform_1, window_bounds = array<i64: 64, 1>}, {pipeline_mode = #tpu.pipeline_mode<synchronous>, transform_indices = @transform_2, window_bounds = array<i64: 64, 1>}, {pipeline_mode = #tpu.pipeline_mode<synchronous>, transform_indices = @transform_3, window_bounds = array<i64: 64, 1>}, {pipeline_mode = #tpu.pipeline_mode<synchronous>, transform_indices = @transform_4, window_bounds = array<i64: 64, 1>}, {pipeline_mode = #tpu.pipeline_mode<synchronous>, transform_indices = @transform_5, window_bounds = array<i64: 64, 1>}, {transform_indices = @transform_6, window_bounds = array<i64: 1, 1024, 1024>}, {transform_indices = @transform_7, window_bounds = array<i64: 1, 1024, 512>}, {pipeline_mode = #tpu.pipeline_mode<synchronous>, transform_indices = @transform_8, window_bounds = array<i64: 64, 1024>}]} {
    %get3A = arith.index_cast %arg0 : i32 to index
    %get3A_0 = memref.load %arg1[%get3A] : memref<64xi32, #tpu.memory_space<smem>>
    %eq3A = arith.constant 0 : i32
    %eq3A_1 = arith.cmpi eq, %arg0, %eq3A : i32
    %convert_element_type3A = arith.extui %eq3A_1 : i1 to i32
    %cond3A = arith.constant 0 : i32
    %cond3A_2 = arith.cmpi ne, %convert_element_type3A, %cond3A : i32
    scf.if %cond3A_2 {
      %get3A_8 = arith.constant 0 : index
      %get3A_9 = arith.constant 0 : index
      %get3A_10 = vector.load %arg3[%get3A_8, %get3A_9] : memref<64x1024xf32, #tpu.memory_space<vmem>>, vector<64x1024xf32>
      %get3A_11 = arith.constant 0 : index
      %get3A_12 = arith.constant 0 : index
      %get3A_13 = vector.load %arg8[%get3A_11, %get3A_12] : memref<64x1xf32, #tpu.memory_space<vmem>>, vector<64x1xf32>
      %mul3A = vector.broadcast %get3A_13 : vector<64x1xf32> to vector<64x1024xf32>
      %mul3A_14 = arith.mulf %get3A_10, %mul3A : vector<64x1024xf32>
      %swap3A = arith.constant 0 : index
      %swap3A_15 = arith.constant 0 : index
      %swap3A_16 = vector.load %arg11[%swap3A, %swap3A_15] : memref<64x1024xf32, #tpu.memory_space<vmem>>, vector<64x1024xf32>
      tpu.vector_store %arg11[%swap3A, %swap3A_15], %mul3A_14 {strides = array<i32>} : memref<64x1024xf32, #tpu.memory_space<vmem>>, vector<64x1024xf32>,
    } else {
    }
    %get3A_3 = arith.constant 0 : index
    %get3A_4 = memref.load %arg2[%get3A_3] : memref<1xi32, #tpu.memory_space<smem>>
    %lt3A = arith.cmpi slt, %arg0, %get3A_4 : i32
    %convert_element_type3A_5 = arith.extui %lt3A : i1 to i32
    %cond3A_6 = arith.constant 0 : i32
    %cond3A_7 = arith.cmpi ne, %convert_element_type3A_5, %cond3A_6 : i32
    scf.if %cond3A_7 {
      %get3A_8 = arith.constant 0 : index
      %get3A_9 = arith.constant 0 : index
      %get3A_10 = vector.load %arg3[%get3A_8, %get3A_9] : memref<64x1024xf32, #tpu.memory_space<vmem>>, vector<64x1024xf32>
      %get3A_11 = arith.constant 0 : index
      %get3A_12 = arith.constant 0 : index
      %get3A_13 = arith.constant 0 : index
      %get3A_14 = vector.load %arg9[%get3A_11, %get3A_12, %get3A_13] : memref<1x1024x1024xf32, #tpu.memory_space<vmem>>, vector<1x1024x1024xf32>
      %get3A_15 = vector.shape_cast %get3A_14 : vector<1x1024x1024xf32> to vector<1024x1024xf32>
      %dot_general3A = arith.constant dense<0.000000e+00> : vector<64x1024xf32>
      %dot_general3A_16 = tpu.matmul %get3A_10, %get3A_15, %dot_general3A {dimension_numbers = #tpu.dot_dimension_numbers<[1], [1], [0], [0], [0, 0, 1, 0], [], []>, transpose_lhs_hint = false} : vector<64x1024xf32>, vector<1024x1024xf32>, vector<64x1024xf32> -> vector<64x1024xf32>
      %slice3A = vector.extract_strided_slice %dot_general3A_16 {offsets = [0, 0], sizes = [64, 512], strides = [1, 1]} : vector<64x1024xf32> to vector<64x512xf32>
      %slice3A_17 = vector.extract_strided_slice %dot_general3A_16 {offsets = [0, 512], sizes = [64, 512], strides = [1, 1]} : vector<64x1024xf32> to vector<64x512xf32>
      %logistic3A = arith.negf %slice3A : vector<64x512xf32>
      %logistic3A_18 = math.exp %logistic3A : vector<64x512xf32>
      %logistic3A_19 = arith.constant 1.000000e+00 : f32
      %logistic3A_20 = vector.broadcast %logistic3A_19 : f32 to vector<64x512xf32>
      %logistic3A_21 = arith.addf %logistic3A_20, %logistic3A_18 : vector<64x512xf32>
      %logistic3A_22 = arith.divf %logistic3A_20, %logistic3A_21 : vector<64x512xf32>
      %mul3A = arith.mulf %slice3A, %logistic3A_22 : vector<64x512xf32>
      %mul3A_23 = arith.mulf %mul3A, %slice3A_17 : vector<64x512xf32>
      %get3A_24 = arith.constant 0 : index
      %get3A_25 = arith.constant 0 : index
      %get3A_26 = arith.constant 0 : index
      %get3A_27 = vector.load %arg10[%get3A_24, %get3A_25, %get3A_26] : memref<1x1024x512xf32, #tpu.memory_space<vmem>>, vector<1x1024x512xf32>
      %get3A_28 = vector.shape_cast %get3A_27 : vector<1x1024x512xf32> to vector<1024x512xf32>
      %dot_general3A_29 = arith.constant dense<0.000000e+00> : vector<64x1024xf32>
      %dot_general3A_30 = tpu.matmul %mul3A_23, %get3A_28, %dot_general3A_29 {dimension_numbers = #tpu.dot_dimension_numbers<[1], [1], [0], [0], [0, 0, 1, 0], [], []>, transpose_lhs_hint = false} : vector<64x512xf32>, vector<1024x512xf32>, vector<64x1024xf32> -> vector<64x1024xf32>
      %get3A_31 = arith.constant 0 : index
      %get3A_32 = arith.constant 0 : index
      %get3A_33 = vector.load %arg4[%get3A_31, %get3A_32] : memref<64x1xi32, #tpu.memory_space<vmem>>, vector<64x1xi32>
      %eq3A_34 = vector.broadcast %get3A_0 : i32 to vector<64x1xi32>
      %eq3A_35 = arith.cmpi eq, %get3A_33, %eq3A_34 : vector<64x1xi32>
      %get3A_36 = arith.constant 0 : index
      %get3A_37 = arith.constant 0 : index
      %get3A_38 = vector.load %arg6[%get3A_36, %get3A_37] : memref<64x1xf32, #tpu.memory_space<vmem>>, vector<64x1xf32>
      %jit3A = arith.constant 0.000000e+00 : f32
      %broadcast_in_dim3A = vector.broadcast %jit3A : f32 to vector<64x1xf32>
      %select_n3A = arith.select %eq3A_35, %get3A_38, %broadcast_in_dim3A : vector<64x1xi1>, vector<64x1xf32>
      %get3A_39 = arith.constant 0 : index
      %get3A_40 = arith.constant 0 : index
      %get3A_41 = vector.load %arg5[%get3A_39, %get3A_40] : memref<64x1xi32, #tpu.memory_space<vmem>>, vector<64x1xi32>
      %eq3A_42 = vector.broadcast %get3A_0 : i32 to vector<64x1xi32>
      %eq3A_43 = arith.cmpi eq, %get3A_41, %eq3A_42 : vector<64x1xi32>
      %get3A_44 = arith.constant 0 : index
      %get3A_45 = arith.constant 0 : index
      %get3A_46 = vector.load %arg7[%get3A_44, %get3A_45] : memref<64x1xf32, #tpu.memory_space<vmem>>, vector<64x1xf32>
      %jit3A_47 = arith.constant 0.000000e+00 : f32
      %broadcast_in_dim3A_48 = vector.broadcast %jit3A_47 : f32 to vector<64x1xf32>
      %select_n3A_49 = arith.select %eq3A_43, %get3A_46, %broadcast_in_dim3A_48 : vector<64x1xi1>, vector<64x1xf32>
      %add3A = arith.addf %select_n3A, %select_n3A_49 : vector<64x1xf32>
      %get3A_50 = arith.constant 0 : index
      %get3A_51 = arith.constant 0 : index
      %get3A_52 = vector.load %arg11[%get3A_50, %get3A_51] : memref<64x1024xf32, #tpu.memory_space<vmem>>, vector<64x1024xf32>
      %mul3A_53 = vector.broadcast %add3A : vector<64x1xf32> to vector<64x1024xf32>
      %mul3A_54 = arith.mulf %mul3A_53, %dot_general3A_30 : vector<64x1024xf32>
      %add3A_55 = arith.addf %get3A_52, %mul3A_54 : vector<64x1024xf32>
      %swap3A = arith.constant 0 : index
      %swap3A_56 = arith.constant 0 : index
      %swap3A_57 = vector.load %arg11[%swap3A, %swap3A_56] : memref<64x1024xf32, #tpu.memory_space<vmem>>, vector<64x1024xf32>
      tpu.vector_store %arg11[%swap3A, %swap3A_56], %add3A_55 {strides = array<i32>} : memref<64x1024xf32, #tpu.memory_space<vmem>>, vector<64x1024xf32>,
    } else {
    }
    return
  }
  func.func @transform_0(%arg0: i32, %arg1: memref<64xi32, #tpu.memory_space<smem>>, %arg2: memref<1xi32, #tpu.memory_space<smem>>) -> (i32, i32) {
    %c0_i32 = arith.constant 0 : i32
    %c0_i32_0 = arith.constant 0 : i32
    %c0_i32_1 = arith.constant 0 : i32
    return %c0_i32, %c0_i32_0 : i32, i32
  }
  func.func @transform_1(%arg0: i32, %arg1: memref<64xi32, #tpu.memory_space<smem>>, %arg2: memref<1xi32, #tpu.memory_space<smem>>) -> (i32, i32) {
    %c0_i32 = arith.constant 0 : i32
    %c0_i32_0 = arith.constant 0 : i32
    %c0_i32_1 = arith.constant 0 : i32
    return %c0_i32, %c0_i32_0 : i32, i32
  }
  func.func @transform_2(%arg0: i32, %arg1: memref<64xi32, #tpu.memory_space<smem>>, %arg2: memref<1xi32, #tpu.memory_space<smem>>) -> (i32, i32) {
    %c0_i32 = arith.constant 0 : i32
    %c0_i32_0 = arith.constant 0 : i32
    %c0_i32_1 = arith.constant 0 : i32
    return %c0_i32, %c0_i32_0 : i32, i32
  }
  func.func @transform_3(%arg0: i32, %arg1: memref<64xi32, #tpu.memory_space<smem>>, %arg2: memref<1xi32, #tpu.memory_space<smem>>) -> (i32, i32) {
    %c0_i32 = arith.constant 0 : i32
    %c0_i32_0 = arith.constant 0 : i32
    %c0_i32_1 = arith.constant 0 : i32
    return %c0_i32, %c0_i32_0 : i32, i32
  }
  func.func @transform_4(%arg0: i32, %arg1: memref<64xi32, #tpu.memory_space<smem>>, %arg2: memref<1xi32, #tpu.memory_space<smem>>) -> (i32, i32) {
    %c0_i32 = arith.constant 0 : i32
    %c0_i32_0 = arith.constant 0 : i32
    %c0_i32_1 = arith.constant 0 : i32
    return %c0_i32, %c0_i32_0 : i32, i32
  }
  func.func @transform_5(%arg0: i32, %arg1: memref<64xi32, #tpu.memory_space<smem>>, %arg2: memref<1xi32, #tpu.memory_space<smem>>) -> (i32, i32) {
    %c0_i32 = arith.constant 0 : i32
    %c0_i32_0 = arith.constant 0 : i32
    %c0_i32_1 = arith.constant 0 : i32
    return %c0_i32, %c0_i32_0 : i32, i32
  }
  func.func @transform_6(%arg0: i32, %arg1: memref<64xi32, #tpu.memory_space<smem>>, %arg2: memref<1xi32, #tpu.memory_space<smem>>) -> (i32, i32, i32) {
    %get3A = arith.index_cast %arg0 : i32 to index
    %get3A_0 = memref.load %arg1[%get3A] : memref<64xi32, #tpu.memory_space<smem>>
    %c0_i32 = arith.constant 0 : i32
    %c0_i32_1 = arith.constant 0 : i32
    %c0_i32_2 = arith.constant 0 : i32
    return %get3A_0, %c0_i32, %c0_i32_1 : i32, i32, i32
  }
  func.func @transform_7(%arg0: i32, %arg1: memref<64xi32, #tpu.memory_space<smem>>, %arg2: memref<1xi32, #tpu.memory_space<smem>>) -> (i32, i32, i32) {
    %get3A = arith.index_cast %arg0 : i32 to index
    %get3A_0 = memref.load %arg1[%get3A] : memref<64xi32, #tpu.memory_space<smem>>
    %c0_i32 = arith.constant 0 : i32
    %c0_i32_1 = arith.constant 0 : i32
    %c0_i32_2 = arith.constant 0 : i32
    return %get3A_0, %c0_i32, %c0_i32_1 : i32, i32, i32
  }
  func.func @transform_8(%arg0: i32, %arg1: memref<64xi32, #tpu.memory_space<smem>>, %arg2: memref<1xi32, #tpu.memory_space<smem>>) -> (i32, i32) {
    %c0_i32 = arith.constant 0 : i32
    %c0_i32_0 = arith.constant 0 : i32
    %c0_i32_1 = arith.constant 0 : i32
    return %c0_i32, %c0_i32_0 : i32, i32
  }
}

</mosaic_0001>

<sc_bundles>
// kernel: kernel.6.cloned.1.call-start
scs
__scs_entry_jumppad:
0x0: {  	(pc) =	sbr.rel $0x88, $3  }
0x1: {  	(tag) =	ssettag $0x0;
	lr =	simm.s32 $0x1  }
0x2: {  	[smem:$0x3F9C] =	sst lr;
	_ =	strace $0xD0000000  }
0x3: {  	_ = 	snop  }
0x4: {  	_ = 	snop  }
0x5: {  	_ = 	snop  }
0x6: {  	_ = 	snop  }
0x7: {  	_ = 	snop  }
__scs_overlays_trampoline_lowered:
0x8: {  	[smem:$0x3FAB] =	sst s0  }
0x9: {  	[smem:$0x3FAC] =	sst s1  }
0xa: {  	[smem:$0x3FAD] =	sst s2  }
0xb: {  	[smem:$0x3FAE] =	sst s3  }
0xc: {  	[smem:$0x3FAF] =	sst s4  }
0xd: {  	[smem:$0x3FB0] =	sst s5  }
0xe: {  	[smem:$0x3FB1] =	sst s6  }
0xf: {  	[smem:$0x3FB2] =	sst s7  }
0x10: {  	[smem:$0x3FB3] =	sst s8  }
0x11: {  	[smem:$0x3FB4] =	sst s9;
	s0 =	simm.s32 @!p0 $0x0  }
0x12: {  	s1 =	sld [smem:$0x3F9A];
	s0 =	simm.s32 @p0 $0x1  }
0x13: {  	[smem:$0x3FB5] =	sst s0;
	s0 =	simm.s32 @!p1 $0x0  }
0x14: {  	s2 =	sld [smem:$0x3F99];
	s0 =	simm.s32 @p1 $0x1  }
0x15: {  	[smem:$0x3FB6] =	sst s0;
	s0 =	simm.s32 @!p2 $0x0  }
0x16: {  	s3 =	sld [smem:$0x3FDB];
	s0 =	simm.s32 @p2 $0x1  }
0x17: {  	s4 =	simm.s32 $0x1BF5;
	[smem:$0x3FB8] =	sst s0  }
0x18: {  	s0 =	sld [smem:$0x3F9B];
	_ =	swait.ge [sflag:s4], $0x0  }
0x19: {  	s7 =	sld [smem:$0x3F9C]  }
0x1a: {  	s8 =	sadd.s32 $0xFFFFE003, lr  }
0x1b: {  	s9 =	sadd.s32 $0xFFFFFEF7, lr;
	s5 =	simm.s32 $0xFFFFFFFF;
	p2 =	slt.u32 s8, $0xFFFFF086  }
0x1c: {  	p1 =	slt.u32 s9, $0xF7A;
	s5 =	simm.s32 @!p2 $0x0  }
0x1d: {  	s5 =	simm.s32 @p1 $0x1;
	p0 =	seq.s32 s7, s2  }
0x1e: {  	s7 =	smul.u32 @!p0 $0xF7A, s2;
	p2 =	seq.s32 @!p0 s5, $0x0  }
0x1f: {  	s9 =	smul.u32 $0xF7A, s1;
	s8 =	simm.s32 @!p0 $0x1BF5;
	p2 =	por !p2, p0  }
0x20: {  	[sflag:s8] =	ssyncset.s32 @!p0 $0xFFFFF086;
	s6 =	sadd.s32 @!p0 s3, s7;
	s7 =	simm.s32 @!p0 $0x108  }
0x21: {  	s3 =	sadd.s32 s3, s9;
	s6 =	sadd.s32 @!p0 $0x88, s6;
	s7 =	simm.s32 @p2 $0x1082  }
0x22: {  	[simem:s7], [sflag:s8] =	dma.local @!p0 [hbm:s6], $0xF7A  }
0x23: {  	s9 =	sor.u32 $0xD0000000, s2;
	s6 =	simm.s32 $0x108;
	_ =	swait.ge @!p0 [sflag:s8], $0x0  }
0x24: {  	s3 =	sadd.s32 $0x88, s3;
	s6 =	simm.s32 @!p1 $0x1082;
	[sflag:s4] =	ssyncset.s32 $0xFFFFF086  }
0x25: {  	[simem:s6], [sflag:s4] =	dma.local [hbm:s3], $0xF7A  }
0x26: {  	[smem:$0x3F9C] =	sst s1;
	(tag) =	ssettag s2;
	_ =	strace s9  }
0x27: {  	s1 =	sld [smem:$0x3FAC]  }
0x28: {  	s2 =	sld [smem:$0x3FAD]  }
0x29: {  	s4 =	sld [smem:$0x3FAF]  }
0x2a: {  	p0 =	seq.s32 s5, $0x0;
	s5 =	sld [smem:$0x3FB0]  }
0x2b: {  	s6 =	sld [smem:$0x3FB1]  }
0x2c: {  	s7 =	sld [smem:$0x3FB2]  }
0x2d: {  	s3 =	simm.s32 $0x108;
	s8 =	sld [smem:$0x3FB3]  }
0x2e: {  	s3 =	simm.s32 @!p0 $0x1082;
	s9 =	sld [smem:$0x3FB4]  }
0x2f: {  	lr =	sadd.s32 s0, s3;
	s0 =	sld [smem:$0x3FAB]  }
0x30: {  	s3 =	sld [smem:$0x3FAE]  }
0x31: {  	[smem:$0x3FB7] =	sst s10  }
0x32: {  	s10 =	sld [smem:$0x3FB5];
	_ =	sdelay $0x3  }
0x33: {  	p0 =	seq.s32 s10, $0x1;
	s10 =	sld [smem:$0x3FB7];
	_ =	sdelay $0x3  }
0x34: {  	[smem:$0x3FB7] =	sst s10  }
0x35: {  	s10 =	sld [smem:$0x3FB6];
	_ =	sdelay $0x3  }
0x36: {  	p1 =	seq.s32 s10, $0x1;
	s10 =	sld [smem:$0x3FB7];
	_ =	sdelay $0x3  }
0x37: {  	[smem:$0x3FB7] =	sst s10  }
0x38: {  	s10 =	sld [smem:$0x3FB8]  }
0x39: {  	_ = 	snop;
	(pc) =	sbr.ind lr, $3  }
0x3a: {  	_ = 	snop  }
0x3b: {  	_ = 	snop  }
0x3c: {  	p2 =	seq.s32 s10, $0x1;
	s10 =	sld [smem:$0x3FB7]  }
0x3d: {  	_ =	shalt  }
0x3e: {  	_ =	shalt  }
0x3f: {  	_ =	shalt  }
0x40: {  	_ =	shalt  }
0x41: {  	_ =	shalt  }
0x42: {  	_ =	shalt  }
0x43: {  	_ =	shalt  }
0x44: {  	_ =	shalt  }
0x45: {  	_ =	shalt  }
0x46: {  	_ =	shalt  }
0x47: {  	_ =	shalt  }
0x48: {  	_ =	shalt  }
0x49: {  	_ =	shalt  }
0x4a: {  	_ =	shalt  }
0x4b: {  	_ =	shalt  }
0x4c: {  	_ =	shalt  }
0x4d: {  	_ =	shalt  }
0x4e: {  	_ =	shalt  }
0x4f: {  	_ =	shalt  }
0x50: {  	_ =	shalt  }
0x51: {  	_ =	shalt  }
0x52: {  	_ =	shalt  }
0x53: {  	_ =	shalt  }
0x54: {  	_ =	shalt  }
0x55: {  	_ =	shalt  }
0x56: {  	_ =	shalt  }
0x57: {  	_ =	shalt  }
0x58: {  	_ =	shalt  }
0x59: {  	_ =	shalt  }
0x5a: {  	_ =	shalt  }
0x5b: {  	_ =	shalt  }
0x5c: {  	_ =	shalt  }
0x5d: {  	_ =	shalt  }
0x5e: {  	_ =	shalt  }
0x5f: {  	_ =	shalt  }
0x60: {  	_ =	shalt  }
0x61: {  	_ =	shalt  }
0x62: {  	_ =	shalt  }
0x63: {  	_ =	shalt  }
0x64: {  	_ =	shalt  }
0x65: {  	_ =	shalt  }
0x66: {  	_ =	shalt  }
0x67: {  	_ =	shalt  }
0x68: {  	_ =	shalt  }
0x69: {  	_ =	shalt  }
0x6a: {  	_ =	shalt  }
0x6b: {  	_ =	shalt  }
0x6c: {  	_ =	shalt  }
0x6d: {  	_ =	shalt  }
0x6e: {  	_ =	shalt  }
0x6f: {  	_ =	shalt  }
0x70: {  	_ =	shalt  }
0x71: {  	_ =	shalt  }
0x72: {  	_ =	shalt  }
0x73: {  	_ =	shalt  }
0x74: {  	_ =	shalt  }
0x75: {  	_ =	shalt  }
0x76: {  	_ =	shalt  }
0x77: {  	_ =	shalt  }
0x78: {  	_ =	shalt  }
0x79: {  	_ =	shalt  }
0x7a: {  	_ =	shalt  }
0x7b: {  	_ =	shalt  }
0x7c: {  	_ =	shalt  }
0x7d: {  	_ =	shalt  }
0x7e: {  	_ =	shalt  }
0x7f: {  	_ =	shalt  }
0x80: {  	_ =	shalt  }
0x81: {  	_ =	shalt  }
0x82: {  	_ =	shalt  }
0x83: {  	_ =	shalt  }
0x84: {  	_ =	shalt  }
0x85: {  	_ =	shalt  }
0x86: {  	_ =	shalt  }
0x87: {  	_ =	shalt  }
.Lfunc_end0:
.L_simem_size_0:
called_computation_lowered:
.L_overlay_start_0:
0x88: {  	s2 =	sld [smem:$0x3FD9]  }
0x89: {  	s3 =	sld [smem:$0x3FFE];
	_ =	sdelay $0x1  }
0x8a: {  	s1 =	srdreg.scid  }
0x8b: {  	s0 =	sand.u32 $0x1, s1  }
0x8c: {  	s17 =	sshll.u32 s0, $0xA;
	s2 =	sadd.s32 s3, s2  }
0x8d: {  	s2 =	sadd.s32 s2, s17  }
0x8e: {  	[smem:$0x3FC3] =	sst s2  }
0x8f: {  	_ = 	snop  }
0x90: {  	s2 =	sld [smem:$0x3FD0];
	(tm) =	ssettm $0x1  }
0x91: {  	s18 =	sld [smem:$0x3FFB];
	_ =	sdelay $0x3  }
0x92: {  	_ =	strace s18  }
0x93: {  	s3 =	sld [smem:$0x3FFC];
	_ =	sdelay $0x3  }
0x94: {  	_ =	strace s3  }
0x95: {  	s3 =	sld [smem:$0x3FFD];
	_ =	sdelay $0x3  }
0x96: {  	_ =	strace s3  }
0x97: {  	_ =	strace $0x8FFFFFFF  }
0x98: {  	s19 =	sld [smem:$0x3FDB];
	_ =	sdelay $0x1  }
0x99: {  	s4 =	simm.s32 $_scs_section_size  }
0x9a: {  	s5 =	simm.s32 $_size__tile_overlayer_lowered;
	s6 =	simm.s32 $_tile_overlayer_lowered  }
0x9b: {  	s22 =	simm.s32 $0x1BFF;
	s21 =	sshll.u32 s6, $0x1;
	s3 =	sadd.s32 s4, s19  }
0x9c: {  	s7 =	simm.s32 $0x0;
	s20 =	sshll.u32 s5, $0x1;
	s5 =	sadd.s32 s21, s3  }
0x9d: {  	[timem:s7], [sflag:s22] =	dma.local [hbm:s5], s20  }
0x9e: {  	_ =	swait.ge [sflag:s22], s20  }
0x9f: {  	s4 =	ssub.s32 $0x0, s20;
	[sflag:s22] =	ssyncset.done $0x0  }
0xa0: {  	[sflag:s22] =	ssyncadd.s32 s4;
	_ =	sdelay $0x1  }
0xa1: {  	s23 =	simm.s32 $0x1B8B  }
0xa2: {  	_ =	swait.ge [sflag:s23], $0x1  }
0xa3: {  	[sflag:s23] =	ssyncset.done $0x0  }
0xa4: {  	s25 =	simm.s32 $0x1B8E;
	s24 =	sld [smem:$0x3FFE];
	[sflag:s23] =	ssyncadd.s32 $0xFFFFFFFF  }
0xa5: {  	s26 =	simm.s32 $execute0_lowered;
	[smem:$0x3FD2] =	sst s25  }
0xa6: {  	s5 =	sshll.u32 s26, $0x1;
	_ =	strace $0x80000046;
	[dreg:$0x1] =	wrdreg $0xFFFFFFFF  }
0xa7: {  	s28 =	simm.s32 $_size_execute0_lowered;
	s3 =	sadd.s32 s3, s5;
	[dreg:$0x0] =	wrdreg $0x0  }
0xa8: {  	s5 =	sshll.u32 s28, $0x1;
	[dreg:$0x2] =	wrdreg s3  }
0xa9: {  	[dreg:$0x3] =	wrdreg s5  }
0xaa: {  	[dreg:$0x4] =	wrdreg $0xC0  }
0xab: {  	_ =	task [dreg:s7], $0x5FFFF  }
0xac: {  	[dreg:$0x1] =	wrdreg $0xFFFFFFFF  }
0xad: {  	[dreg:$0x0] =	wrdreg $0x60  }
0xae: {  	[dreg:$0x2] =	wrdreg s2  }
0xaf: {  	[dreg:$0x3] =	wrdreg s24  }
0xb0: {  	[dreg:$0x4] =	wrdreg $0x9  }
0xb1: {  	_ =	task.clear_ibuf [dreg:s7], $0x5FFFF;
	_ =	strace $0x90000046  }
0xb2: {  	s29 =	simm.s32 $0x9;
	_ =	strace $0x80000048  }
0xb3: {  	_ =	swait.ge [sflag:s29], $0x1  }
0xb4: {  	[sflag:s29] =	ssyncadd.s32 $0xFFFFFFFF  }
0xb5: {  	_ =	strace $0x90000048  }
0xb6: {  	_ =	sfence  }
0xb7: {  	s30 =	sld [smem:$0x0];
	_ =	sdelay $0x2  }
0xb8: {  	s31 =	sshll.u32 s1, $0xD;
	s1 =	sshrl.u32 s1, $0x2  }
0xb9: {  	s3 =	sand.u32 $0x4000, s31;
	s1 =	sadd.s32 s1, s30  }
0xba: {  	s0 =	sor.u32 s3, s0;
	s1 =	sshll.u32 s1, $0x11  }
0xbb: {  	s0 =	sor.u32 s1, s0  }
0xbc: {  	s0 =	sadd.s32 $0x8F2B, s0  }
0xbd: {  	[sflag:s0] =	ssyncadd.remote.s32 $0x1  }
0xbe: {  	_ =	sfence.sel $0xFFFF  }
0xbf: {  	[dreg:$0x0] =	wrdreg $0xFFFFFFFF;
	(pc) =	sbr.abs _section_cstart, $3  }
0xc0: {  	[dreg:$0x1] =	wrdreg $0xFFFFFFFF  }
0xc1: {  	_ =	task.clear_ibuf [dreg:s7], $0x2FFFF;
	_ =	strace $0x9FFFFFFF  }
0xc2: {  	(tm) =	ssettm $0x7FFFFFFF  }
0xc3: {  	_ =	shalt  }
tec
execute0_lowered:
.L_overlay_start_1:
0x0: {  	(tag) =	ssettag $0x1  }
0x1: {  	s1 =	stileid.u32  }
0x2: {  	p0 =	sgt.u32 s1, $0x1  }
.Ltmp0:
0x3: {  	_ = 	snop;
	(pc) =	sbr.rel @p0 .LBB2_5-.Ltmp0, $4  }
0x4: {  	s2 =	rddreg [dreg:$0x0]  }
0x5: {  	s4 =	rddreg [dreg:$0x1];
	s3 =	simm.s32 $0x0  }
0x6: {  	[smem:$0x7FF] =	sst s3  }
0x7: {  	s0 =	rddreg [dreg:$0x2];
	_ =	strace $0x80000047  }
0x8: {  	s5 =	srdreg.scid;
	s30 =	sshll.u32 s1, $0x2  }
0x9: {  	s12 =	sshll.u32 s1, $0x7;
	s14 =	simm.s32 $0x2800;
	s15 =	simm.s32 $0x5000  }
0xa: {  	s16 =	simm.s32 $0x5080;
	s17 =	simm.s32 $0x5100;
	s18 =	simm.s32 $0x5180  }
0xb: {  	s19 =	simm.s32 $0x5200;
	s20 =	simm.s32 $0x0;
	s8 =	sand.u32 $0x1, s5  }
0xc: {  	s6 =	sshll.u32 s8, $0x1;
	s10 =	ssub.s32 $0x2, s8;
	s13 =	sshll.u32 s8, $0x6  }
0xd: {  	s5 =	sor.u32 s6, s30;
	s11 =	sshrl.u32 s10, $0x1;
	s31 =	sor.u32 s13, s12  }
0xe: {  	s13 =	simm.s32 $0x1;
	s9 =	sadd.s32 s5, s4;
	s4 =	sadd.s32 $0x1400, s4  }
0xf: {  	s10 =	ssub.s32 s10, s11;
	s11 =	sshrl.u32 s31, $0x2;
	s5 =	sadd.s32 $0x1C00, s9  }
0x10: {  	s6 =	sadd.s32 $0x1A00, s9;
	s7 =	sadd.s32 $0x1E00, s9;
	s8 =	sadd.s32 $0x2000, s9  }
0x11: {  	s9 =	sadd.s32 $0x2200, s9;
	s10 =	smax.u32 s10, $0x1;
	s12 =	sor.u32 $0x2800, s11  }
.LBB2_2:
0x12: {  	s21 =	simm.s32 $0x0  }
0x13: {  	[tilespmem:s21], [sflag:$0x1] =	stream.linear.gather [hbm4b:s2+s21], $0x2800, $0x38;
	[tilespmem:$0x5280] =	vst v63  }
0x14: {  	_ =	swait.ge [sflag:s13], $0x2800  }
0x15: {  	[sflag:s13] =	ssyncset.done $0x0  }
0x16: {  	[sflag:s13] =	ssyncadd.s32 $0xFFFFD800  }
0x17: {  	[tilespmem:s14], [sflag:$0x1] =	stream.linear.gather [hbm4b:s4+s21], $0x2800, $0x38;
	[tilespmem:$0x5280] =	vst v63  }
0x18: {  	_ =	swait.ge [sflag:s13], $0x2800  }
0x19: {  	[sflag:s13] =	ssyncset.done $0x0  }
0x1a: {  	[sflag:s13] =	ssyncadd.s32 $0xFFFFD800  }
0x1b: {  	v5 =	vld [tilespmem:s12+$0x0];
	_ =	sdelay $0x1  }
0x1c: {  	v1 =	vld [tilespmem:s11+$0x0]  }
0x1d: {  	v6 =	vimm.f32 $-Inf;
	v3 =	vimm.s32 $0x0  }
0x1e: {  	v4 =	vimm.f32 $0.0e+00;
	v7 =	vimm.f32 $-Inf;
	v0 =	vimm.s32 $0x0  }
0x1f: {  	s22 =	simm.s32 $0x1;
	s23 =	sadd.s32 $0x80, s12;
	s24 =	smov.u32 s11;
	v2 =	vimm.f32 $0.0e+00;
	vm0 =	vgt.f32 v5, v6;
	vm1 =	vgt.f32 v5, v6  }
.LBB2_3:
0x20: {  	p0 =	sne.s32 s22, $0x4F  }
0x21: {  	v8 =	vld [tilespmem:s23+$0x0];
	v6 =	vsel vm1, v5, v6;
	v3 =	vsel vm1, s21, v3;
	v4 =	vsel vm1, v1, v4;
	s24 =	sadd.s32 $0x80, s24;
	v9 =	vmovc v1;
	s25 =	smov.u32 s22;
	s22 =	sadd.s32 $0x1, s22  }
.Ltmp1:
0x22: {  	v1 =	vld [tilespmem:s24+$0x0];
	v6 =	vsel vm0, v7, v6;
	v3 =	vsel vm0, v0, v3;
	v4 =	vsel vm0, v2, v4;
	(pc) =	sbr.rel @p0 .LBB2_3-.Ltmp1, $2  }
0x23: {  	v7 =	vsel vm0, v5, v7;
	v0 =	vsel vm0, s21, v0;
	v2 =	vsel vm0, v9, v2;
	s21 =	smov.u32 s25;
	_ =	sdelay $0x2  }
0x24: {  	s23 =	sadd.s32 $0x80, s23;
	vm0 =	vgt.f32 v8, v7;
	vm1 =	vgt.f32 v8, v6;
	v5 =	vmov v8  }
0x25: {  	v3 =	vsel vm1, s21, v3;
	v4 =	vsel vm1, v1, v4  }
0x26: {  	v60 =	vsel vm0, v1, v2;
	v61 =	vsel vm0, s21, v0;
	v4 =	vsel vm0, v2, v4  }
0x27: {  	v3 =	vsel vm0, v0, v3;
	v1 =	vmul.f32 $2.500000000e+00, v60;
	v62 =	vmul.f32 $2.500000000e+00, v4  }
0x28: {  	vm0 =	vgt.s32 v61, $0x3F;
	[tilespmem:$0x5000] =	vst v61;
	vm15 =	vgt.s32 v3, $0x3F  }
0x29: {  	[tilespmem:$0x5080] =	vst v3;
	v63 =	vnsel vm0, $0x0, v1;
	v1 =	vsel vm0, $0x0, v1;
	v4 =	vnsel vm15, $0x0, v62  }
0x2a: {  	v2 =	vsel vm15, $0x0, v62;
	[tilespmem:$0x5100] =	vst v1;
	v0 =	vadd.f32 v4, v63  }
0x2b: {  	[tilespmem:$0x5180] =	vst v2  }
0x2c: {  	[tilespmem:$0x5200] =	vst v0  }
0x2d: {  	[hbm4b:s5+s3] =	stream.linear.scatter [tilespmem:s15], [sflag:$0x1], $0x10, $0x38;
	[tilespmem:$0x5280] =	vst v63  }
0x2e: {  	_ =	swait.ge [sflag:s13], $0x10  }
0x2f: {  	[sflag:s13] =	ssyncset.done $0x0  }
0x30: {  	[sflag:s13] =	ssyncadd.s32 $0xFFFFFFF0  }
0x31: {  	[hbm4b:s6+s3] =	stream.linear.scatter [tilespmem:s16], [sflag:$0x1], $0x10, $0x38;
	[tilespmem:$0x5280] =	vst v63  }
0x32: {  	_ =	swait.ge [sflag:s13], $0x10  }
0x33: {  	[sflag:s13] =	ssyncset.done $0x0  }
0x34: {  	[sflag:s13] =	ssyncadd.s32 $0xFFFFFFF0  }
0x35: {  	[hbm4b:s7+s3] =	stream.linear.scatter [tilespmem:s17], [sflag:$0x1], $0x10, $0x38;
	[tilespmem:$0x5280] =	vst v63  }
0x36: {  	_ =	swait.ge [sflag:s13], $0x10  }
0x37: {  	[sflag:s13] =	ssyncset.done $0x0  }
0x38: {  	[sflag:s13] =	ssyncadd.s32 $0xFFFFFFF0  }
0x39: {  	[hbm4b:s8+s3] =	stream.linear.scatter [tilespmem:s18], [sflag:$0x1], $0x10, $0x38;
	[tilespmem:$0x5280] =	vst v63  }
0x3a: {  	s20 =	sadd.s32 $0x1, s20;
	_ =	swait.ge [sflag:s13], $0x10  }
0x3b: {  	p0 =	sne.s32 s20, s10;
	[sflag:s13] =	ssyncset.done $0x0  }
.Ltmp2:
0x3c: {  	[sflag:s13] =	ssyncadd.s32 $0xFFFFFFF0;
	(pc) =	sbr.rel @p0 .LBB2_2-.Ltmp2, $4  }
0x3d: {  	[hbm4b:s9+s3] =	stream.linear.scatter [tilespmem:s19], [sflag:$0x1], $0x10, $0x38;
	[tilespmem:$0x5280] =	vst v63  }
0x3e: {  	_ =	swait.ge [sflag:s13], $0x10  }
0x3f: {  	[sflag:s13] =	ssyncset.done $0x0  }
0x40: {  	[sflag:s13] =	ssyncadd.s32 $0xFFFFFFF0  }
.LBB2_5:
0x41: {  	_ =	sfence.sel $0x180000  }
0x42: {  	[bflag:$0x0] =	sbarrier.arrive $0xFFFF  }
0x43: {  	p0 =	sne.s32 s1, $0x0;
	_ =	strace $0x90000047  }
0x44: {  	s0 =	sadd.s32 @!p0 $0x100000, s0;
	[bflag:$0x2] =	sbarrier.arrive $0xFFFF  }
0x45: {  	[sflag:s0] =	ssyncadd.tile.s32 @!p0 $0x1;
	_ =	shalt  }
.Lfunc_end2:
_tile_overlayer_lowered:
.L_overlay_start_2:
0x46: {  	(tag) =	ssettag $0x2  }
0x47: {  	s0 =	rddreg [dreg:$0x0];
	s2 =	stileid.u32  }
0x48: {  	s1 =	rddreg [dreg:$0x1];
	p0 =	sne.s32 s2, $0x0  }
0x49: {  	s3 =	rddreg [dreg:$0x2];
	[bflag:$0x3] =	sbarrier.arrive $0xFFFF;
	s2 =	simm.s32 @!p0 $0x1C01  }
0x4a: {  	[timem:s3], [sflag:s2] =	dma.local @!p0 [hbm:s0], s1  }
0x4b: {  	s0 =	simm.s32 @!p0 $0x1  }
0x4c: {  	_ =	swait.ge @!p0 [sflag:s0], s1  }
0x4d: {  	s1 =	ssub.s32 @!p0 $0x0, s1;
	[sflag:s0] =	ssyncset.done @!p0 $0x0  }
0x4e: {  	[sflag:s0] =	ssyncadd.s32 @!p0 s1  }
0x4f: {  	[bflag:$0x3] =	sbarrier.arrive $0xFFFF  }
0x50: {  	_ =	shalt  }

</sc_bundles>
